<compile_context>
chip_gen: v7x
topology: tpu7x:2x2x1
jax: 0.10.2.dev20260603
libtpu: 0.0.44.dev20260713+nightly
codegen_flags: <defaults>
</compile_context>

<pallas_src>
import functools

import jax
import jax.numpy as jnp
from jax import lax
from jax.experimental import pallas as pl
from jax.experimental.pallas import tpu as pltpu
from jax.experimental.pallas import tpu_sc as plsc

_N = 16384
_TQ = 1024


def _argmin_body(q_ref, refT_ref, idx_ref):
    _MASK = jnp.int32(-_N)
    _CMASK = jnp.int32(_N - 1)
    q = q_ref[...]
    qn = jnp.sum(q * q, axis=1, keepdims=True)
    q5 = jnp.concatenate(
        [q * (-2.0), qn, jnp.ones((_TQ, 1), jnp.float32)], axis=1)
    col = lax.broadcasted_iota(jnp.int32, (1, _N), 1)

    r = refT_ref[...]
    rn = jnp.sum(r * r, axis=0, keepdims=True)
    r5 = jnp.concatenate(
        [r, jnp.ones((1, _N), jnp.float32), rn], axis=0)
    d2 = lax.dot_general(
        q5, r5, (((1,), (0,)), ((), ())),
        precision=lax.Precision.DEFAULT,
        preferred_element_type=jnp.float32)
    key = lax.bitcast_convert_type(
        (lax.bitcast_convert_type(d2, jnp.int32) & _MASK) | col,
        jnp.float32)
    bkey = jnp.min(key, axis=1, keepdims=True)
    idx_ref[...] = lax.bitcast_convert_type(bkey, jnp.int32) & _CMASK


def _nearest_ids(q, refT):
    return pl.pallas_call(
        _argmin_body,
        grid=(_N // _TQ,),
        in_specs=[
            pl.BlockSpec((_TQ, 3), lambda i: (i, 0)),
            pl.BlockSpec((3, _N), lambda i: (0, 0)),
        ],
        out_specs=pl.BlockSpec((_TQ, 1), lambda i: (i, 0)),
        out_shape=jax.ShapeDtypeStruct((_N, 1), jnp.int32),
    )(q, refT)


_NW = 32
_BPW = _N // _NW
_L = 16


def _sc_mismatch_counts(ids, labels):
    mesh = plsc.VectorSubcoreMesh(core_axis_name="c", subcore_axis_name="s")

    @functools.partial(
        pl.kernel, mesh=mesh,
        out_type=jax.ShapeDtypeStruct((_NW, _L), jnp.int32),
        scratch_types=[
            pltpu.VMEM((_BPW,), jnp.int32),
            pltpu.VMEM((_BPW,), jnp.int32),
            pltpu.VMEM((_BPW,), jnp.int32),
            pltpu.VMEM((_L,), jnp.int32),
            pltpu.SemaphoreType.DMA,
        ],
    )
    def k(ids_hbm, labels_hbm, out_hbm, idx_v, g_v, own_v, acc_v, sem):
        wid = lax.axis_index("s") * 2 + lax.axis_index("c")
        base = wid * _BPW
        pltpu.sync_copy(ids_hbm.at[pl.ds(base, _BPW)], idx_v)
        pltpu.sync_copy(labels_hbm.at[pl.ds(base, _BPW)], own_v)
        pltpu.async_copy(labels_hbm.at[idx_v], g_v, sem).wait()

        ones = jnp.full((_L,), 1, jnp.int32)
        zeros = jnp.full((_L,), 0, jnp.int32)

        def body(i, acc):
            g = g_v[pl.ds(i * _L, _L)]
            o = own_v[pl.ds(i * _L, _L)]
            return acc + jnp.where(g != o, ones, zeros)

        acc = lax.fori_loop(0, _BPW // _L, body, zeros)
        acc_v[...] = acc
        pltpu.sync_copy(acc_v, out_hbm.at[wid])

    return k(ids, labels)


def kernel(mean_3d, mean_3d_cano, segm_labels):
    refT = mean_3d_cano.T
    ids = _nearest_ids(mean_3d, refT).reshape(-1)
    labels = segm_labels.astype(jnp.int32)
    counts = _sc_mismatch_counts(ids, labels)
    return jnp.sum(counts).astype(jnp.float32) / _N

# --- scband reference (transcript-rebuilt; emitter-appended) ---
"""Pipeline reference for scband-semantic-consistency-loss-41764261986808 (READ-ONLY COPY).

The authoritative reference and input builder live on the scoring server;
editing this copy changes nothing except your own understanding.
"""

import jax, jax.numpy as jnp
import numpy as np

N = 16384
K_CLASSES = 24
CHUNK = 2048


def setup_inputs(seed: int = 0) -> dict:
    key = jax.random.key(seed)
    k1, k2, k3 = jax.random.split(key, 3)
    mean_3d = jax.random.normal(k1, (N, 3), dtype=jnp.float32)
    mean_3d_cano = jax.random.normal(k2, (N, 3), dtype=jnp.float32)
    segm_labels = jax.random.randint(k3, (N,), 0, K_CLASSES, dtype=jnp.int64)
    return {"mean_3d": mean_3d, "mean_3d_cano": mean_3d_cano, "segm_labels": segm_labels}


def _nearest_idx(q, ref):
    # brute-force 1-NN (knn_points with K=1): squared L2 distances, chunked over queries
    rn = jnp.sum(ref * ref, axis=1)  # [N]
    qn = jnp.sum(q * q, axis=1)      # [N]
    n = q.shape[0]
    nc = n // CHUNK
    q_chunks = q.reshape(nc, CHUNK, 3)
    qn_chunks = qn.reshape(nc, CHUNK)

    def chunk_fn(args):
        qc, qnc = args
        d2 = qnc[:, None] + rn[None, :] - 2.0 * (qc @ ref.T)
        return jnp.argmin(d2, axis=1)

    idx = jax.lax.map(chunk_fn, (q_chunks, qn_chunks))
    return idx.reshape(-1)


def reference(mean_3d, mean_3d_cano, segm_labels):
    # knn_points(mean_3d[None], mean_3d_cano[None], K=1): nearest canonical point per posed point
    nearest_ids = _nearest_idx(mean_3d, mean_3d_cano)  # [N]
    matched_labels = jnp.take(segm_labels, nearest_ids, axis=0)
    semantic_inconsistent = matched_labels != segm_labels
    semantic_loss = semantic_inconsistent.astype(jnp.float32).mean()
    return semantic_loss

if __name__ == "__main__":
    import jax
    _d = setup_inputs()
    print(jax.jit(kernel)(*tuple(_d.values())))

</pallas_src>

<mosaic_0001>
#map = affine_map<(d0, d1) -> (0)>
#map1 = affine_map<(d0, d1) -> (0, 0)>
module attributes {stable_mosaic.version = 14 : i64} {
  func.func @k(%arg0: i32, %arg1: i32, %arg2: memref<16384xi32, #tpu.memory_space<hbm>>, %arg3: memref<16384xi32, #tpu.memory_space<hbm>>, %arg4: memref<32x16xi32, #tpu.memory_space<hbm>>, %arg5: memref<512xi32, #tpu.memory_space<vmem>>, %arg6: memref<512xi32, #tpu.memory_space<vmem>>, %arg7: memref<512xi32, #tpu.memory_space<vmem>>, %arg8: memref<16xi32, #tpu.memory_space<vmem>>, %arg9: memref<!tpu.dma_semaphore, #tpu.memory_space<semaphore_mem>>) attributes {dimension_semantics = [#tpu.dimension_semantics<core_parallel>, #tpu.dimension_semantics<subcore_parallel>], iteration_bounds = array<i64: 2, 16>, scalar_prefetch = 0 : i64, scratch_operands = 5 : i64, tpu.core_type = #tpu.core_type<sc_vector_subcore>, window_params = [{transform_indices = #map}, {transform_indices = #map}, {transform_indices = #map1}]} {
    %mul3A = arith.constant 2 : i32
    %mul3A_0 = arith.muli %arg1, %mul3A : i32
    %add3A = arith.addi %mul3A_0, %arg0 : i32
    %mul3A_1 = arith.constant 512 : i32
    %mul3A_2 = arith.muli %add3A, %mul3A_1 : i32
    "tpu.region"() ({
      %run_scoped3A = tpu.sem_alloc : memref<!tpu.dma_semaphore, #tpu.memory_space<semaphore_mem>>
      %dma_start3A_16 = tpu.memref_slice %arg2[%mul3A_2] : memref<16384xi32, #tpu.memory_space<hbm>> -> memref<512xi32, #tpu.memory_space<hbm>>
      %dma_start3A_17 = tpu.memref_slice %arg2[%mul3A_2] : memref<16384xi32, #tpu.memory_space<hbm>> -> memref<512xi32, #tpu.memory_space<hbm>>
      tpu.enqueue_dma source(%dma_start3A_17 : memref<512xi32, #tpu.memory_space<hbm>>) target(%arg5 : memref<512xi32, #tpu.memory_space<vmem>>) target_semaphore(%run_scoped3A : memref<!tpu.dma_semaphore, #tpu.memory_space<semaphore_mem>>)
      %dma_wait3A_18 = tpu.memref_slice %arg2[%mul3A_2] : memref<16384xi32, #tpu.memory_space<hbm>> -> memref<512xi32, #tpu.memory_space<hbm>>
      %dma_wait3A_19 = tpu.memref_slice %arg2[%mul3A_2] : memref<16384xi32, #tpu.memory_space<hbm>> -> memref<512xi32, #tpu.memory_space<hbm>>
      tpu.wait_dma2 semaphore(%run_scoped3A : memref<!tpu.dma_semaphore, #tpu.memory_space<semaphore_mem>>) src(%dma_wait3A_19 : memref<512xi32, #tpu.memory_space<hbm>>) dst(%arg5 : memref<512xi32, #tpu.memory_space<vmem>>)
      tpu.yield
    }) : () -> ()
    "tpu.region"() ({
      %run_scoped3A = tpu.sem_alloc : memref<!tpu.dma_semaphore, #tpu.memory_space<semaphore_mem>>
      %dma_start3A_16 = tpu.memref_slice %arg3[%mul3A_2] : memref<16384xi32, #tpu.memory_space<hbm>> -> memref<512xi32, #tpu.memory_space<hbm>>
      %dma_start3A_17 = tpu.memref_slice %arg3[%mul3A_2] : memref<16384xi32, #tpu.memory_space<hbm>> -> memref<512xi32, #tpu.memory_space<hbm>>
      tpu.enqueue_dma source(%dma_start3A_17 : memref<512xi32, #tpu.memory_space<hbm>>) target(%arg7 : memref<512xi32, #tpu.memory_space<vmem>>) target_semaphore(%run_scoped3A : memref<!tpu.dma_semaphore, #tpu.memory_space<semaphore_mem>>)
      %dma_wait3A_18 = tpu.memref_slice %arg3[%mul3A_2] : memref<16384xi32, #tpu.memory_space<hbm>> -> memref<512xi32, #tpu.memory_space<hbm>>
      %dma_wait3A_19 = tpu.memref_slice %arg3[%mul3A_2] : memref<16384xi32, #tpu.memory_space<hbm>> -> memref<512xi32, #tpu.memory_space<hbm>>
      tpu.wait_dma2 semaphore(%run_scoped3A : memref<!tpu.dma_semaphore, #tpu.memory_space<semaphore_mem>>) src(%dma_wait3A_19 : memref<512xi32, #tpu.memory_space<hbm>>) dst(%arg7 : memref<512xi32, #tpu.memory_space<vmem>>)
      tpu.yield
    }) : () -> ()
    %dma_start3A = arith.constant 0 : i32
    %dma_start3A_3 = tpu.memref_slice %arg3[%dma_start3A] : memref<16384xi32, #tpu.memory_space<hbm>> -> memref<16384xi32, #tpu.memory_space<hbm>>
    tpu.enqueue_indirect_dma source(%dma_start3A_3 : memref<16384xi32, #tpu.memory_space<hbm>>) target(%arg6 : memref<512xi32, #tpu.memory_space<vmem>>) offsets(%arg5 : memref<512xi32, #tpu.memory_space<vmem>>) semaphore(%arg9 : memref<!tpu.dma_semaphore, #tpu.memory_space<semaphore_mem>>)
    %dma_wait3A = arith.constant 0 : i32
    %dma_wait3A_4 = tpu.memref_slice %arg3[%dma_wait3A] : memref<16384xi32, #tpu.memory_space<hbm>> -> memref<16384xi32, #tpu.memory_space<hbm>>
    tpu.wait_indirect_dma semaphore(%arg9 : memref<!tpu.dma_semaphore, #tpu.memory_space<semaphore_mem>>) src(%dma_wait3A_4 : memref<16384xi32, #tpu.memory_space<hbm>>) dst(%arg6 : memref<512xi32, #tpu.memory_space<vmem>>)
    %broadcast_in_dim3A = arith.constant 1 : i32
    %broadcast_in_dim3A_5 = vector.broadcast %broadcast_in_dim3A : i32 to vector<16xi32>
    %broadcast_in_dim3A_6 = arith.constant 0 : i32
    %broadcast_in_dim3A_7 = vector.broadcast %broadcast_in_dim3A_6 : i32 to vector<16xi32>
    %scan3A = arith.constant 0 : i32
    %scan3A_8 = arith.constant 32 : i32
    %scan3A_9 = arith.addi %scan3A, %scan3A_8 : i32
    %scan3A_10 = arith.constant 1 : i32
    %scan3A_11 = scf.for %scan3A_16 = %scan3A to %scan3A_9 step %scan3A_10 iter_args(%scan3A_17 = %broadcast_in_dim3A_7) -> (vector<16xi32>)  : i32 {
      %mul3A_18 = arith.constant 16 : i32
      %mul3A_19 = arith.muli %scan3A_16, %mul3A_18 : i32
      %get3A = arith.index_cast %mul3A_19 : i32 to index
      %get3A_20 = tpu.vector_load %arg6[%get3A] {strides = array<i32>} : memref<512xi32, #tpu.memory_space<vmem>>, vector<16xi32>,
      %get3A_21 = vector.shape_cast %get3A_20 : vector<16xi32> to vector<16xi32>
      %mul3A_22 = arith.constant 16 : i32
      %mul3A_23 = arith.muli %scan3A_16, %mul3A_22 : i32
      %get3A_24 = arith.index_cast %mul3A_23 : i32 to index
      %get3A_25 = tpu.vector_load %arg7[%get3A_24] {strides = array<i32>} : memref<512xi32, #tpu.memory_space<vmem>>, vector<16xi32>,
      %get3A_26 = vector.shape_cast %get3A_25 : vector<16xi32> to vector<16xi32>
      %ne3A = arith.cmpi ne, %get3A_21, %get3A_26 : vector<16xi32>
      %select_n3A = arith.select %ne3A, %broadcast_in_dim3A_5, %broadcast_in_dim3A_7 : vector<16xi1>, vector<16xi32>
      %add3A_27 = arith.addi %scan3A_17, %select_n3A : vector<16xi32>
      scf.yield %add3A_27 : vector<16xi32>
    }
    %scan3A_12 = arith.constant 32 : i32
    %swap3A = arith.constant 0 : index
    %swap3A_13 = tpu.vector_load %arg8[%swap3A] {strides = array<i32>} : memref<16xi32, #tpu.memory_space<vmem>>, vector<16xi32>,
    %swap3A_14 = vector.shape_cast %swap3A_13 : vector<16xi32> to vector<16xi32>
    %swap3A_15 = vector.shape_cast %scan3A_11 : vector<16xi32> to vector<16xi32>
    tpu.vector_store %arg8[%swap3A], %swap3A_15 {strides = array<i32>} : memref<16xi32, #tpu.memory_space<vmem>>, vector<16xi32>,
    "tpu.region"() ({
      %run_scoped3A = tpu.sem_alloc : memref<!tpu.dma_semaphore, #tpu.memory_space<semaphore_mem>>
      %dma_start3A_16 = arith.constant 0 : i32
      %dma_start3A_17 = tpu.memref_slice %arg4[%add3A, %dma_start3A_16] : memref<32x16xi32, #tpu.memory_space<hbm>> -> memref<1x16xi32, #tpu.memory_space<hbm>>
      %dma_start3A_18 = tpu.memref_squeeze %dma_start3A_17 : memref<1x16xi32, #tpu.memory_space<hbm>> -> memref<16xi32, #tpu.memory_space<hbm>>
      %dma_start3A_19 = arith.constant 0 : i32
      %dma_start3A_20 = tpu.memref_slice %arg4[%add3A, %dma_start3A_19] : memref<32x16xi32, #tpu.memory_space<hbm>> -> memref<1x16xi32, #tpu.memory_space<hbm>>
      %dma_start3A_21 = tpu.memref_squeeze %dma_start3A_20 : memref<1x16xi32, #tpu.memory_space<hbm>> -> memref<16xi32, #tpu.memory_space<hbm>>
      tpu.enqueue_dma source(%arg8 : memref<16xi32, #tpu.memory_space<vmem>>) target(%dma_start3A_21 : memref<16xi32, #tpu.memory_space<hbm>>) target_semaphore(%run_scoped3A : memref<!tpu.dma_semaphore, #tpu.memory_space<semaphore_mem>>)
      %dma_wait3A_22 = arith.constant 0 : i32
      %dma_wait3A_23 = tpu.memref_slice %arg4[%add3A, %dma_wait3A_22] : memref<32x16xi32, #tpu.memory_space<hbm>> -> memref<1x16xi32, #tpu.memory_space<hbm>>
      %dma_wait3A_24 = tpu.memref_squeeze %dma_wait3A_23 : memref<1x16xi32, #tpu.memory_space<hbm>> -> memref<16xi32, #tpu.memory_space<hbm>>
      %dma_wait3A_25 = arith.constant 0 : i32
      %dma_wait3A_26 = tpu.memref_slice %arg4[%add3A, %dma_wait3A_25] : memref<32x16xi32, #tpu.memory_space<hbm>> -> memref<1x16xi32, #tpu.memory_space<hbm>>
      %dma_wait3A_27 = tpu.memref_squeeze %dma_wait3A_26 : memref<1x16xi32, #tpu.memory_space<hbm>> -> memref<16xi32, #tpu.memory_space<hbm>>
      tpu.wait_dma2 semaphore(%run_scoped3A : memref<!tpu.dma_semaphore, #tpu.memory_space<semaphore_mem>>) src(%arg8 : memref<16xi32, #tpu.memory_space<vmem>>) dst(%dma_wait3A_27 : memref<16xi32, #tpu.memory_space<hbm>>)
      tpu.yield
    }) : () -> ()
    return
  }
}

module attributes {stable_mosaic.version = 14 : i64} {
  func.func @_argmin_body(%arg0: i32, %arg1: memref<1024x3xf32, #tpu.memory_space<vmem>>, %arg2: memref<3x16384xf32, #tpu.memory_space<vmem>>, %arg3: memref<1024x1xi32, #tpu.memory_space<vmem>>) attributes {dimension_semantics = [#tpu.dimension_semantics<arbitrary>], iteration_bounds = array<i64: 16>, scalar_prefetch = 0 : i64, scratch_operands = 0 : i64, tpu.core_type = #tpu.core_type<tc>, window_params = [{transform_indices = @transform_0, window_bounds = array<i64: 1024, 3>}, {pipeline_mode = #tpu.pipeline_mode<synchronous>, transform_indices = @transform_1, window_bounds = array<i64: 3, 16384>}, {transform_indices = @transform_2, window_bounds = array<i64: 1024, 1>}]} {
    %get3A = arith.constant 0 : index
    %get3A_0 = arith.constant 0 : index
    %get3A_1 = vector.load %arg1[%get3A, %get3A_0] : memref<1024x3xf32, #tpu.memory_space<vmem>>, vector<1024x3xf32>
    %mul3A = arith.mulf %get3A_1, %get3A_1 : vector<1024x3xf32>
    %reduce_sum3A = arith.constant dense<0.000000e+00> : vector<1024xf32>
    %reduce_sum3A_2 = vector.multi_reduction <add>, %mul3A, %reduce_sum3A [1] : vector<1024x3xf32> to vector<1024xf32>
    %broadcast_in_dim3A = vector.shape_cast %reduce_sum3A_2 : vector<1024xf32> to vector<1024x1xf32>
    %mul3A_3 = arith.constant -2.000000e+00 : f32
    %mul3A_4 = vector.broadcast %mul3A_3 : f32 to vector<1024x3xf32>
    %mul3A_5 = arith.mulf %get3A_1, %mul3A_4 : vector<1024x3xf32>
    %broadcast_in_dim3A_6 = arith.constant 1.000000e+00 : f32
    %broadcast_in_dim3A_7 = vector.broadcast %broadcast_in_dim3A_6 : f32 to vector<1024x1xf32>
    %concatenate3A = tpu.concatenate %mul3A_5, %broadcast_in_dim3A, %broadcast_in_dim3A_7 in 1 : vector<1024x3xf32>, vector<1024x1xf32>, vector<1024x1xf32> -> vector<1024x5xf32>
    %iota3A = tpu.iota {dimensions = array<i32: 1>} : vector<1x16384xi32>
    %get3A_8 = arith.constant 0 : index
    %get3A_9 = arith.constant 0 : index
    %get3A_10 = vector.load %arg2[%get3A_8, %get3A_9] : memref<3x16384xf32, #tpu.memory_space<vmem>>, vector<3x16384xf32>
    %mul3A_11 = arith.mulf %get3A_10, %get3A_10 : vector<3x16384xf32>
    %reduce_sum3A_12 = arith.constant dense<0.000000e+00> : vector<16384xf32>
    %reduce_sum3A_13 = vector.multi_reduction <add>, %mul3A_11, %reduce_sum3A_12 [0] : vector<3x16384xf32> to vector<16384xf32>
    %broadcast_in_dim3A_14 = vector.shape_cast %reduce_sum3A_13 : vector<16384xf32> to vector<1x16384xf32>
    %broadcast_in_dim3A_15 = arith.constant 1.000000e+00 : f32
    %broadcast_in_dim3A_16 = vector.broadcast %broadcast_in_dim3A_15 : f32 to vector<1x16384xf32>
    %concatenate3A_17 = tpu.concatenate %get3A_10, %broadcast_in_dim3A_16, %broadcast_in_dim3A_14 in 0 : vector<3x16384xf32>, vector<1x16384xf32>, vector<1x16384xf32> -> vector<5x16384xf32>
    %dot_general3A = arith.constant dense<0.000000e+00> : vector<1024x16384xf32>
    %dot_general3A_18 = tpu.matmul %concatenate3A, %concatenate3A_17, %dot_general3A {dimension_numbers = #tpu.dot_dimension_numbers<[1], [0], [0], [1], [0, 0, 1, 1], [], []>, transpose_lhs_hint = false} : vector<1024x5xf32>, vector<5x16384xf32>, vector<1024x16384xf32> -> vector<1024x16384xf32>
    %bitcast_convert_type3A = tpu.bitcast %dot_general3A_18 : vector<1024x16384xf32> -> vector<1024x16384xi32>
    %and3A = arith.constant -16384 : i32
    %and3A_19 = vector.broadcast %and3A : i32 to vector<1024x16384xi32>
    %and3A_20 = arith.andi %bitcast_convert_type3A, %and3A_19 : vector<1024x16384xi32>
    %or3A = vector.broadcast %iota3A : vector<1x16384xi32> to vector<1024x16384xi32>
    %or3A_21 = arith.ori %and3A_20, %or3A : vector<1024x16384xi32>
    %bitcast_convert_type3A_22 = tpu.bitcast %or3A_21 : vector<1024x16384xi32> -> vector<1024x16384xf32>
    %reduce_min3A = arith.constant dense<0x7F800000> : vector<1024xf32>
    %reduce_min3A_23 = vector.multi_reduction <minimumf>, %bitcast_convert_type3A_22, %reduce_min3A [1] : vector<1024x16384xf32> to vector<1024xf32>
    %broadcast_in_dim3A_24 = vector.shape_cast %reduce_min3A_23 : vector<1024xf32> to vector<1024x1xf32>
    %bitcast_convert_type3A_25 = tpu.bitcast %broadcast_in_dim3A_24 : vector<1024x1xf32> -> vector<1024x1xi32>
    %and3A_26 = arith.constant 16383 : i32
    %and3A_27 = vector.broadcast %and3A_26 : i32 to vector<1024x1xi32>
    %and3A_28 = arith.andi %bitcast_convert_type3A_25, %and3A_27 : vector<1024x1xi32>
    %swap3A = arith.constant 0 : index
    %swap3A_29 = arith.constant 0 : index
    %swap3A_30 = vector.load %arg3[%swap3A, %swap3A_29] : memref<1024x1xi32, #tpu.memory_space<vmem>>, vector<1024x1xi32>
    tpu.vector_store %arg3[%swap3A, %swap3A_29], %and3A_28 {strides = array<i32>} : memref<1024x1xi32, #tpu.memory_space<vmem>>, vector<1024x1xi32>,
    return
  }
  func.func @transform_0(%arg0: i32) -> (i32, i32) {
    %c0_i32 = arith.constant 0 : i32
    %c0_i32_0 = arith.constant 0 : i32
    return %arg0, %c0_i32 : i32, i32
  }
  func.func @transform_1(%arg0: i32) -> (i32, i32) {
    %c0_i32 = arith.constant 0 : i32
    %c0_i32_0 = arith.constant 0 : i32
    %c0_i32_1 = arith.constant 0 : i32
    return %c0_i32, %c0_i32_0 : i32, i32
  }
  func.func @transform_2(%arg0: i32) -> (i32, i32) {
    %c0_i32 = arith.constant 0 : i32
    %c0_i32_0 = arith.constant 0 : i32
    return %arg0, %c0_i32 : i32, i32
  }
}

</mosaic_0001>

<sc_bundles>
// kernel: kernel.4.cloned.1.call-start
scs
__scs_entry_jumppad:
0x0: {  	(pc) =	sbr.rel $0x88, $3  }
0x1: {  	(tag) =	ssettag $0x0;
	lr =	simm.s32 $0x1  }
0x2: {  	[smem:$0x3F9E] =	sst lr;
	_ =	strace $0xD0000000  }
0x3: {  	_ = 	snop  }
0x4: {  	_ = 	snop  }
0x5: {  	_ = 	snop  }
0x6: {  	_ = 	snop  }
0x7: {  	_ = 	snop  }
__scs_overlays_trampoline_lowered:
0x8: {  	[smem:$0x3FAD] =	sst s0  }
0x9: {  	[smem:$0x3FAE] =	sst s1  }
0xa: {  	[smem:$0x3FAF] =	sst s2  }
0xb: {  	[smem:$0x3FB0] =	sst s3  }
0xc: {  	[smem:$0x3FB1] =	sst s4  }
0xd: {  	[smem:$0x3FB2] =	sst s5  }
0xe: {  	[smem:$0x3FB3] =	sst s6  }
0xf: {  	[smem:$0x3FB4] =	sst s7  }
0x10: {  	[smem:$0x3FB5] =	sst s8  }
0x11: {  	[smem:$0x3FB6] =	sst s9;
	s0 =	simm.s32 @!p0 $0x0  }
0x12: {  	s1 =	sld [smem:$0x3F9C];
	s0 =	simm.s32 @p0 $0x1  }
0x13: {  	[smem:$0x3FB7] =	sst s0;
	s0 =	simm.s32 @!p1 $0x0  }
0x14: {  	s2 =	sld [smem:$0x3F9B];
	s0 =	simm.s32 @p1 $0x1  }
0x15: {  	[smem:$0x3FB8] =	sst s0;
	s0 =	simm.s32 @!p2 $0x0  }
0x16: {  	s3 =	sld [smem:$0x3FDB];
	s0 =	simm.s32 @p2 $0x1  }
0x17: {  	s4 =	simm.s32 $0x1BF5;
	[smem:$0x3FBA] =	sst s0  }
0x18: {  	s0 =	sld [smem:$0x3F9D];
	_ =	swait.ge [sflag:s4], $0x0  }
0x19: {  	s7 =	sld [smem:$0x3F9E]  }
0x1a: {  	s8 =	sadd.s32 $0xFFFFE003, lr  }
0x1b: {  	s9 =	sadd.s32 $0xFFFFFEF7, lr;
	s5 =	simm.s32 $0xFFFFFFFF;
	p2 =	slt.u32 s8, $0xFFFFF086  }
0x1c: {  	p1 =	slt.u32 s9, $0xF7A;
	s5 =	simm.s32 @!p2 $0x0  }
0x1d: {  	s5 =	simm.s32 @p1 $0x1;
	p0 =	seq.s32 s7, s2  }
0x1e: {  	s7 =	smul.u32 @!p0 $0xF7A, s2;
	p2 =	seq.s32 @!p0 s5, $0x0  }
0x1f: {  	s9 =	smul.u32 $0xF7A, s1;
	s8 =	simm.s32 @!p0 $0x1BF5;
	p2 =	por !p2, p0  }
0x20: {  	[sflag:s8] =	ssyncset.s32 @!p0 $0xFFFFF086;
	s6 =	sadd.s32 @!p0 s3, s7;
	s7 =	simm.s32 @!p0 $0x108  }
0x21: {  	s3 =	sadd.s32 s3, s9;
	s6 =	sadd.s32 @!p0 $0x88, s6;
	s7 =	simm.s32 @p2 $0x1082  }
0x22: {  	[simem:s7], [sflag:s8] =	dma.local @!p0 [hbm:s6], $0xF7A  }
0x23: {  	s9 =	sor.u32 $0xD0000000, s2;
	s6 =	simm.s32 $0x108;
	_ =	swait.ge @!p0 [sflag:s8], $0x0  }
0x24: {  	s3 =	sadd.s32 $0x88, s3;
	s6 =	simm.s32 @!p1 $0x1082;
	[sflag:s4] =	ssyncset.s32 $0xFFFFF086  }
0x25: {  	[simem:s6], [sflag:s4] =	dma.local [hbm:s3], $0xF7A  }
0x26: {  	[smem:$0x3F9E] =	sst s1;
	(tag) =	ssettag s2;
	_ =	strace s9  }
0x27: {  	s1 =	sld [smem:$0x3FAE]  }
0x28: {  	s2 =	sld [smem:$0x3FAF]  }
0x29: {  	s4 =	sld [smem:$0x3FB1]  }
0x2a: {  	p0 =	seq.s32 s5, $0x0;
	s5 =	sld [smem:$0x3FB2]  }
0x2b: {  	s6 =	sld [smem:$0x3FB3]  }
0x2c: {  	s7 =	sld [smem:$0x3FB4]  }
0x2d: {  	s3 =	simm.s32 $0x108;
	s8 =	sld [smem:$0x3FB5]  }
0x2e: {  	s3 =	simm.s32 @!p0 $0x1082;
	s9 =	sld [smem:$0x3FB6]  }
0x2f: {  	lr =	sadd.s32 s0, s3;
	s0 =	sld [smem:$0x3FAD]  }
0x30: {  	s3 =	sld [smem:$0x3FB0]  }
0x31: {  	[smem:$0x3FB9] =	sst s10  }
0x32: {  	s10 =	sld [smem:$0x3FB7];
	_ =	sdelay $0x3  }
0x33: {  	p0 =	seq.s32 s10, $0x1;
	s10 =	sld [smem:$0x3FB9];
	_ =	sdelay $0x3  }
0x34: {  	[smem:$0x3FB9] =	sst s10  }
0x35: {  	s10 =	sld [smem:$0x3FB8];
	_ =	sdelay $0x3  }
0x36: {  	p1 =	seq.s32 s10, $0x1;
	s10 =	sld [smem:$0x3FB9];
	_ =	sdelay $0x3  }
0x37: {  	[smem:$0x3FB9] =	sst s10  }
0x38: {  	s10 =	sld [smem:$0x3FBA]  }
0x39: {  	_ = 	snop;
	(pc) =	sbr.ind lr, $3  }
0x3a: {  	_ = 	snop  }
0x3b: {  	_ = 	snop  }
0x3c: {  	p2 =	seq.s32 s10, $0x1;
	s10 =	sld [smem:$0x3FB9]  }
0x3d: {  	_ =	shalt  }
0x3e: {  	_ =	shalt  }
0x3f: {  	_ =	shalt  }
0x40: {  	_ =	shalt  }
0x41: {  	_ =	shalt  }
0x42: {  	_ =	shalt  }
0x43: {  	_ =	shalt  }
0x44: {  	_ =	shalt  }
0x45: {  	_ =	shalt  }
0x46: {  	_ =	shalt  }
0x47: {  	_ =	shalt  }
0x48: {  	_ =	shalt  }
0x49: {  	_ =	shalt  }
0x4a: {  	_ =	shalt  }
0x4b: {  	_ =	shalt  }
0x4c: {  	_ =	shalt  }
0x4d: {  	_ =	shalt  }
0x4e: {  	_ =	shalt  }
0x4f: {  	_ =	shalt  }
0x50: {  	_ =	shalt  }
0x51: {  	_ =	shalt  }
0x52: {  	_ =	shalt  }
0x53: {  	_ =	shalt  }
0x54: {  	_ =	shalt  }
0x55: {  	_ =	shalt  }
0x56: {  	_ =	shalt  }
0x57: {  	_ =	shalt  }
0x58: {  	_ =	shalt  }
0x59: {  	_ =	shalt  }
0x5a: {  	_ =	shalt  }
0x5b: {  	_ =	shalt  }
0x5c: {  	_ =	shalt  }
0x5d: {  	_ =	shalt  }
0x5e: {  	_ =	shalt  }
0x5f: {  	_ =	shalt  }
0x60: {  	_ =	shalt  }
0x61: {  	_ =	shalt  }
0x62: {  	_ =	shalt  }
0x63: {  	_ =	shalt  }
0x64: {  	_ =	shalt  }
0x65: {  	_ =	shalt  }
0x66: {  	_ =	shalt  }
0x67: {  	_ =	shalt  }
0x68: {  	_ =	shalt  }
0x69: {  	_ =	shalt  }
0x6a: {  	_ =	shalt  }
0x6b: {  	_ =	shalt  }
0x6c: {  	_ =	shalt  }
0x6d: {  	_ =	shalt  }
0x6e: {  	_ =	shalt  }
0x6f: {  	_ =	shalt  }
0x70: {  	_ =	shalt  }
0x71: {  	_ =	shalt  }
0x72: {  	_ =	shalt  }
0x73: {  	_ =	shalt  }
0x74: {  	_ =	shalt  }
0x75: {  	_ =	shalt  }
0x76: {  	_ =	shalt  }
0x77: {  	_ =	shalt  }
0x78: {  	_ =	shalt  }
0x79: {  	_ =	shalt  }
0x7a: {  	_ =	shalt  }
0x7b: {  	_ =	shalt  }
0x7c: {  	_ =	shalt  }
0x7d: {  	_ =	shalt  }
0x7e: {  	_ =	shalt  }
0x7f: {  	_ =	shalt  }
0x80: {  	_ =	shalt  }
0x81: {  	_ =	shalt  }
0x82: {  	_ =	shalt  }
0x83: {  	_ =	shalt  }
0x84: {  	_ =	shalt  }
0x85: {  	_ =	shalt  }
0x86: {  	_ =	shalt  }
0x87: {  	_ =	shalt  }
.Lfunc_end0:
.L_simem_size_0:
called_computation_lowered:
.L_overlay_start_0:
0x88: {  	s2 =	sld [smem:$0x3FD9]  }
0x89: {  	s3 =	sld [smem:$0x3FFE];
	_ =	sdelay $0x1  }
0x8a: {  	s1 =	srdreg.scid  }
0x8b: {  	s0 =	sand.u32 $0x1, s1  }
0x8c: {  	s17 =	sshll.u32 s0, $0xA;
	s2 =	sadd.s32 s3, s2  }
0x8d: {  	s2 =	sadd.s32 s2, s17  }
0x8e: {  	[smem:$0x3FC5] =	sst s2  }
0x8f: {  	_ = 	snop  }
0x90: {  	s2 =	sld [smem:$0x3FC7];
	(tm) =	ssettm $0x1  }
0x91: {  	s18 =	sld [smem:$0x3FFB];
	_ =	sdelay $0x3  }
0x92: {  	_ =	strace s18  }
0x93: {  	s3 =	sld [smem:$0x3FFC];
	_ =	sdelay $0x3  }
0x94: {  	_ =	strace s3  }
0x95: {  	s3 =	sld [smem:$0x3FFD];
	_ =	sdelay $0x3  }
0x96: {  	_ =	strace s3  }
0x97: {  	_ =	strace $0x8FFFFFFF  }
0x98: {  	s19 =	sld [smem:$0x3FDB];
	_ =	sdelay $0x1  }
0x99: {  	s4 =	simm.s32 $_scs_section_size  }
0x9a: {  	s5 =	simm.s32 $_size__tile_overlayer_lowered;
	s6 =	simm.s32 $_tile_overlayer_lowered  }
0x9b: {  	s22 =	simm.s32 $0x1BFF;
	s21 =	sshll.u32 s6, $0x1;
	s3 =	sadd.s32 s4, s19  }
0x9c: {  	s7 =	simm.s32 $0x0;
	s20 =	sshll.u32 s5, $0x1;
	s5 =	sadd.s32 s21, s3  }
0x9d: {  	[timem:s7], [sflag:s22] =	dma.local [hbm:s5], s20  }
0x9e: {  	_ =	swait.ge [sflag:s22], s20  }
0x9f: {  	s4 =	ssub.s32 $0x0, s20;
	[sflag:s22] =	ssyncset.done $0x0  }
0xa0: {  	[sflag:s22] =	ssyncadd.s32 s4;
	_ =	sdelay $0x1  }
0xa1: {  	s23 =	simm.s32 $0x1B8B  }
0xa2: {  	_ =	swait.ge [sflag:s23], $0x1  }
0xa3: {  	[sflag:s23] =	ssyncset.done $0x0  }
0xa4: {  	s25 =	simm.s32 $0x1B8E;
	s24 =	sld [smem:$0x3FFE];
	[sflag:s23] =	ssyncadd.s32 $0xFFFFFFFF  }
0xa5: {  	s26 =	simm.s32 $execute0_lowered;
	[smem:$0x3FD2] =	sst s25  }
0xa6: {  	s5 =	sshll.u32 s26, $0x1;
	_ =	strace $0x80000046;
	[dreg:$0x1] =	wrdreg $0xFFFFFFFF  }
0xa7: {  	s28 =	simm.s32 $_size_execute0_lowered;
	s3 =	sadd.s32 s3, s5;
	[dreg:$0x0] =	wrdreg $0x0  }
0xa8: {  	s5 =	sshll.u32 s28, $0x1;
	[dreg:$0x2] =	wrdreg s3  }
0xa9: {  	[dreg:$0x3] =	wrdreg s5  }
0xaa: {  	[dreg:$0x4] =	wrdreg $0xC0  }
0xab: {  	_ =	task [dreg:s7], $0x5FFFF  }
0xac: {  	[dreg:$0x1] =	wrdreg $0xFFFFFFFF  }
0xad: {  	[dreg:$0x0] =	wrdreg $0x60  }
0xae: {  	[dreg:$0x2] =	wrdreg s24  }
0xaf: {  	[dreg:$0x3] =	wrdreg s2  }
0xb0: {  	[dreg:$0x4] =	wrdreg $0x9  }
0xb1: {  	_ =	task.clear_ibuf [dreg:s7], $0x5FFFF;
	_ =	strace $0x90000046  }
0xb2: {  	s29 =	simm.s32 $0x9;
	_ =	strace $0x80000048  }
0xb3: {  	_ =	swait.ge [sflag:s29], $0x1  }
0xb4: {  	[sflag:s29] =	ssyncadd.s32 $0xFFFFFFFF  }
0xb5: {  	_ =	strace $0x90000048  }
0xb6: {  	_ =	sfence  }
0xb7: {  	s30 =	sld [smem:$0x0];
	_ =	sdelay $0x2  }
0xb8: {  	s31 =	sshll.u32 s1, $0xD;
	s1 =	sshrl.u32 s1, $0x2  }
0xb9: {  	s3 =	sand.u32 $0x4000, s31;
	s1 =	sadd.s32 s1, s30  }
0xba: {  	s0 =	sor.u32 s3, s0;
	s1 =	sshll.u32 s1, $0x11  }
0xbb: {  	s0 =	sor.u32 s1, s0  }
0xbc: {  	s0 =	sadd.s32 $0x8F2B, s0  }
0xbd: {  	[sflag:s0] =	ssyncadd.remote.s32 $0x1  }
0xbe: {  	_ =	sfence.sel $0xFFFF  }
0xbf: {  	[dreg:$0x0] =	wrdreg $0xFFFFFFFF;
	(pc) =	sbr.abs _section_cstart, $3  }
0xc0: {  	[dreg:$0x1] =	wrdreg $0xFFFFFFFF  }
0xc1: {  	_ =	task.clear_ibuf [dreg:s7], $0x2FFFF;
	_ =	strace $0x9FFFFFFF  }
0xc2: {  	(tm) =	ssettm $0x7FFFFFFF  }
0xc3: {  	_ =	shalt  }
tec
execute0_lowered:
.L_overlay_start_1:
0x0: {  	(tag) =	ssettag $0x1  }
0x1: {  	s4 =	rddreg [dreg:$0x0]  }
0x2: {  	s2 =	rddreg [dreg:$0x1]  }
0x3: {  	s0 =	rddreg [dreg:$0x2]  }
0x4: {  	s3 =	simm.s32 $0x0;
	s5 =	srdreg.scid;
	s1 =	stileid.u32  }
0x5: {  	s9 =	simm.s32 $0x400;
	s10 =	simm.s32 $0x200;
	s11 =	simm.s32 $0x1  }
0x6: {  	s12 =	simm.s32 $0x600;
	s5 =	sand.u32 $0x1, s5;
	s6 =	sshll.u32 s1, $0x1  }
0x7: {  	s13 =	simm.s32 $0x0;
	[smem:$0x7FF] =	sst s3;
	s6 =	sor.u32 s5, s6  }
0x8: {  	_ =	strace $0x80000047;
	s5 =	ssub.s32 $0x2, s5;
	s7 =	sshll.u32 s6, $0x4  }
0x9: {  	s8 =	sshrl.u32 s5, $0x1;
	s6 =	sshll.u32 s6, $0x6;
	s7 =	sadd.s32 s7, s4  }
0xa: {  	s8 =	ssub.s32 s5, s8;
	s4 =	sadd.s32 s4, s6;
	s5 =	sadd.s32 s2, s6  }
0xb: {  	v0 =	vimm.s32 $0x0;
	s6 =	sadd.s32 $0x800, s7;
	s7 =	smax.u32 s8, $0x1;
	s8 =	simm.s32 $0x2  }
.LBB2_1:
0xc: {  	[tilespmem:s3], [sflag:$0x2] =	stream.linear.gather [hbm4b:s4+s3], $0x200, $0x38;
	[tilespmem:$0x680] =	vst v63  }
0xd: {  	_ =	swait.ge [sflag:s8], $0x200  }
0xe: {  	[sflag:s8] =	ssyncset.done $0x0  }
0xf: {  	[sflag:s8] =	ssyncadd.s32 $0xFFFFFE00  }
0x10: {  	[tilespmem:s9], [sflag:$0x2] =	stream.linear.gather [hbm4b:s5+s3], $0x200, $0x38;
	[tilespmem:$0x680] =	vst v63  }
0x11: {  	_ =	swait.ge [sflag:s8], $0x200  }
0x12: {  	[sflag:s8] =	ssyncset.done $0x0  }
0x13: {  	[sflag:s8] =	ssyncadd.s32 $0xFFFFFE00  }
0x14: {  	[tilespmem:s10], [sflag:$0x1] =	stream.indirect.gather [hbm4b:s2+s10], $0x1, s3, s10, $0xb8;
	[tilespmem:$0x680] =	vst v63  }
0x15: {  	_ =	swait.ge [sflag:s11], $0x200  }
0x16: {  	[sflag:s11] =	ssyncset.done $0x0  }
0x17: {  	s15 =	simm.s32 $0x0;
	[sflag:s11] =	ssyncadd.s32 $0xFFFFFE00  }
0x18: {  	v1 =	vld [tilespmem:s15+$0x200]  }
0x19: {  	s14 =	simm.s32 $0x40;
	v2 =	vimm.s32 $0x0;
	v3 =	vld [tilespmem:s15+$0x400]  }
.LBB2_2:
0x1a: {  	_ = 	snop  }
0x1b: {  	p0 =	sne.s32 s14, $0x7C0  }
.Ltmp0:
0x1c: {  	_ = 	snop;
	(pc) =	sbr.rel @p0 .LBB2_2-.Ltmp0, $4  }
0x1d: {  	_ = 	snop  }
0x1e: {  	s15 =	sshra.s32 s14, $0x2;
	vm0 =	vne.s32 v1, v3  }
0x1f: {  	v1 =	vld [tilespmem:s15+$0x200];
	v4 =	vsel vm0, $0x1, v0  }
0x20: {  	s14 =	sadd.s32 $0x40, s14;
	v3 =	vld [tilespmem:s15+$0x400];
	v2 =	vadd.s32 v4, v2  }
0x21: {  	_ =	sdelay $0x3  }
0x22: {  	vm0 =	vne.s32 v1, v3  }
0x23: {  	s13 =	sadd.s32 $0x1, s13;
	v1 =	vsel vm0, $0x1, v0  }
0x24: {  	p0 =	sne.s32 s13, s7;
	v1 =	vadd.s32 v1, v2  }
.Ltmp1:
0x25: {  	[tilespmem:$0x600] =	vst v1;
	(pc) =	sbr.rel @p0 .LBB2_1-.Ltmp1, $4  }
0x26: {  	[hbm4b:s6+s3] =	stream.linear.scatter [tilespmem:s12], [sflag:$0x2], $0x80, $0x38;
	[tilespmem:$0x680] =	vst v63  }
0x27: {  	_ =	swait.ge [sflag:s8], $0x80  }
0x28: {  	[sflag:s8] =	ssyncset.done $0x0  }
0x29: {  	[sflag:s8] =	ssyncadd.s32 $0xFFFFFF80  }
0x2a: {  	_ =	sfence.sel $0x180000  }
0x2b: {  	[bflag:$0x0] =	sbarrier.arrive $0xFFFF  }
0x2c: {  	p0 =	sne.s32 s1, $0x0;
	_ =	strace $0x90000047  }
0x2d: {  	s0 =	sadd.s32 @!p0 $0x100000, s0;
	[bflag:$0x2] =	sbarrier.arrive $0xFFFF  }
0x2e: {  	[sflag:s0] =	ssyncadd.tile.s32 @!p0 $0x1;
	_ =	shalt  }
.Lfunc_end2:
_tile_overlayer_lowered:
.L_overlay_start_2:
0x2f: {  	(tag) =	ssettag $0x2  }
0x30: {  	s0 =	rddreg [dreg:$0x0];
	s2 =	stileid.u32  }
0x31: {  	s1 =	rddreg [dreg:$0x1];
	p0 =	sne.s32 s2, $0x0  }
0x32: {  	s3 =	rddreg [dreg:$0x2];
	[bflag:$0x3] =	sbarrier.arrive $0xFFFF;
	s2 =	simm.s32 @!p0 $0x1C02  }
0x33: {  	[timem:s3], [sflag:s2] =	dma.local @!p0 [hbm:s0], s1  }
0x34: {  	s0 =	simm.s32 @!p0 $0x2  }
0x35: {  	_ =	swait.ge @!p0 [sflag:s0], s1  }
0x36: {  	s1 =	ssub.s32 @!p0 $0x0, s1;
	[sflag:s0] =	ssyncset.done @!p0 $0x0  }
0x37: {  	[sflag:s0] =	ssyncadd.s32 @!p0 s1  }
0x38: {  	[bflag:$0x3] =	sbarrier.arrive $0xFFFF  }
0x39: {  	_ =	shalt  }

</sc_bundles>
